<compile_context>
chip_gen: v7x
topology: tpu7x:2x2x1
jax: 0.10.2.dev20260603
libtpu: 0.0.44.dev20260713+nightly
codegen_flags: <defaults>
</compile_context>

<pallas_src>
import functools

import jax
import jax.numpy as jnp
from jax import lax
from jax.experimental import pallas as pl
from jax.experimental.pallas import tpu as pltpu
from jax.experimental.pallas import tpu_sc as plsc

P = 320000
M = 128
NC = 2
NS = 16
NW = NC * NS
CHUNK = 200
NBUF = 2
NLANE = 16
NVEC = M // NLANE

TC_ROWS = 179200
SC_ROWS = P - TC_ROWS
RPW = SC_ROWS // NW
TC_BLOCK = 22400


def _sc_partials(messages):
    mesh = plsc.VectorSubcoreMesh(core_axis_name="c", subcore_axis_name="s")

    @functools.partial(
        pl.kernel,
        mesh=mesh,
        out_type=jax.ShapeDtypeStruct((NW * M,), jnp.float32),
        scratch_types=[
            pltpu.VMEM((NBUF, CHUNK, M), jnp.float32),
            pltpu.VMEM((M,), jnp.float32),
        ]
        + [pltpu.SemaphoreType.DMA] * NBUF,
    )
    def body(msg_hbm, out_hbm, buf, accv, *sems):
        wid = lax.axis_index("s") * NC + lax.axis_index("c")
        base = TC_ROWS + wid * RPW
        nchunk = RPW // CHUNK
        groups = nchunk // NBUF

        def issue(c, b):
            pltpu.async_copy(
                msg_hbm.at[pl.ds(base + c * CHUNK, CHUNK)], buf.at[b], sems[b]
            )

        def wait(c, b):
            pltpu.make_async_copy(
                msg_hbm.at[pl.ds(base + c * CHUNK, CHUNK)], buf.at[b], sems[b]
            ).wait()

        for b in range(NBUF):
            issue(b, b)

        def group_body(g, accs):
            for b in range(NBUF):
                c = g * NBUF + b
                wait(c, b)

                def row_body(r, a):
                    return tuple(
                        a[j] + buf[b, r, pl.ds(j * NLANE, NLANE)]
                        for j in range(NVEC)
                    )

                accs = lax.fori_loop(0, CHUNK, row_body, accs)

                @pl.when(c + NBUF < nchunk)
                def _():
                    issue(c + NBUF, b)

            return accs

        accs = tuple(jnp.zeros((NLANE,), jnp.float32) for _ in range(NVEC))
        accs = lax.fori_loop(0, groups, group_body, accs)
        for j in range(NVEC):
            accv[pl.ds(j * NLANE, NLANE)] = accs[j]
        pltpu.sync_copy(accv, out_hbm.at[pl.ds(wid * M, M)])

    return body(messages).reshape((NW, M))


def _tc_body(x_ref, out_ref):
    @pl.when(pl.program_id(0) == 0)
    def _():
        out_ref[:] = jnp.zeros_like(out_ref)

    out_ref[:] += jnp.sum(x_ref[:], axis=0, keepdims=True)


def _tc_partial(messages):
    return pl.pallas_call(
        _tc_body,
        grid=(TC_ROWS // TC_BLOCK,),
        in_specs=[pl.BlockSpec((TC_BLOCK, M), lambda i: (i, 0))],
        out_specs=pl.BlockSpec((1, M), lambda i: (0, 0)),
        out_shape=jax.ShapeDtypeStruct((1, M), jnp.float32),
    )(messages)


def _finish(p_ref, t_ref, out_ref):
    out_ref[:] = jnp.sum(p_ref[:], axis=0, keepdims=True) + t_ref[:]


def kernel(messages):
    tc_part = _tc_partial(messages)
    sc_part = _sc_partials(messages)
    out = pl.pallas_call(
        _finish,
        out_shape=jax.ShapeDtypeStruct((1, M), jnp.float32),
    )(sc_part, tc_part)
    return out.reshape((M,))

# --- scband reference (transcript-rebuilt; emitter-appended) ---
"""Pipeline reference for scband-aggregator-69750268887205 (READ-ONLY COPY).

The authoritative reference and input builder live on the scoring server;
editing this copy changes nothing except your own understanding.
"""

import jax, jax.numpy as jnp
import numpy as np

P = 320000
M = 128
INIT = 0.0

def setup_inputs(seed: int = 0) -> dict:
    key = jax.random.key(seed)
    messages = jax.random.normal(key, (P, M), dtype=jnp.float32)
    return {"messages": messages}

def reference(messages):
    # Aggregator(init=0.0, operation=jax.lax.add):
    # set-pooling reduction over the p (message) axis with given init/operation.
    return jax.lax.reduce(messages, jnp.float32(INIT), jax.lax.add, dimensions=(0,))

if __name__ == "__main__":
    import jax
    _d = setup_inputs()
    print(jax.jit(kernel)(*tuple(_d.values())))

</pallas_src>

<mosaic_0001>
#map = affine_map<(d0, d1) -> (0, 0)>
#map1 = affine_map<(d0, d1) -> (0)>
module attributes {stable_mosaic.version = 14 : i64} {
  func.func @body(%arg0: i32, %arg1: i32, %arg2: memref<320000x128xf32, #tpu.memory_space<hbm>>, %arg3: memref<4096xf32, #tpu.memory_space<hbm>>, %arg4: memref<2x200x128xf32, #tpu.memory_space<vmem>>, %arg5: memref<128xf32, #tpu.memory_space<vmem>>, %arg6: memref<!tpu.dma_semaphore, #tpu.memory_space<semaphore_mem>>, %arg7: memref<!tpu.dma_semaphore, #tpu.memory_space<semaphore_mem>>) attributes {dimension_semantics = [#tpu.dimension_semantics<core_parallel>, #tpu.dimension_semantics<subcore_parallel>], iteration_bounds = array<i64: 2, 16>, scalar_prefetch = 0 : i64, scratch_operands = 4 : i64, tpu.core_type = #tpu.core_type<sc_vector_subcore>, window_params = [{transform_indices = #map}, {transform_indices = #map1}]} {
    %mul3A = arith.constant 2 : i32
    %mul3A_0 = arith.muli %arg1, %mul3A : i32
    %add3A = arith.addi %mul3A_0, %arg0 : i32
    %mul3A_1 = arith.constant 4400 : i32
    %mul3A_2 = arith.muli %add3A, %mul3A_1 : i32
    %add3A_3 = arith.constant 179200 : i32
    %add3A_4 = arith.addi %add3A_3, %mul3A_2 : i32
    %add3A_5 = arith.constant 0 : i32
    %add3A_6 = arith.addi %add3A_4, %add3A_5 : i32
    %dma_start3A = arith.constant 0 : i32
    %dma_start3A_7 = arith.constant 0 : i32
    %dma_start3A_8 = arith.constant 0 : i32
    %dma_start3A_9 = tpu.memref_slice %arg4[%dma_start3A, %dma_start3A_7, %dma_start3A_8] : memref<2x200x128xf32, #tpu.memory_space<vmem>> -> memref<1x200x128xf32, #tpu.memory_space<vmem>>
    %dma_start3A_10 = tpu.memref_squeeze %dma_start3A_9 : memref<1x200x128xf32, #tpu.memory_space<vmem>> -> memref<200x128xf32, #tpu.memory_space<vmem>>
    %dma_start3A_11 = arith.constant 0 : i32
    %dma_start3A_12 = tpu.memref_slice %arg2[%add3A_6, %dma_start3A_11] : memref<320000x128xf32, #tpu.memory_space<hbm>> -> memref<200x128xf32, #tpu.memory_space<hbm>>
    %dma_start3A_13 = arith.constant 0 : i32
    %dma_start3A_14 = arith.constant 0 : i32
    %dma_start3A_15 = tpu.memref_slice %arg4[%dma_start3A, %dma_start3A_13, %dma_start3A_14] : memref<2x200x128xf32, #tpu.memory_space<vmem>> -> memref<1x200x128xf32, #tpu.memory_space<vmem>>
    %dma_start3A_16 = tpu.memref_squeeze %dma_start3A_15 : memref<1x200x128xf32, #tpu.memory_space<vmem>> -> memref<200x128xf32, #tpu.memory_space<vmem>>
    %dma_start3A_17 = arith.constant 0 : i32
    %dma_start3A_18 = tpu.memref_slice %arg2[%add3A_6, %dma_start3A_17] : memref<320000x128xf32, #tpu.memory_space<hbm>> -> memref<200x128xf32, #tpu.memory_space<hbm>>
    tpu.enqueue_dma source(%dma_start3A_18 : memref<200x128xf32, #tpu.memory_space<hbm>>) target(%dma_start3A_16 : memref<200x128xf32, #tpu.memory_space<vmem>>) target_semaphore(%arg6 : memref<!tpu.dma_semaphore, #tpu.memory_space<semaphore_mem>>)
    %add3A_19 = arith.constant 200 : i32
    %add3A_20 = arith.addi %add3A_4, %add3A_19 : i32
    %dma_start3A_21 = arith.constant 1 : i32
    %dma_start3A_22 = arith.constant 0 : i32
    %dma_start3A_23 = arith.constant 0 : i32
    %dma_start3A_24 = tpu.memref_slice %arg4[%dma_start3A_21, %dma_start3A_22, %dma_start3A_23] : memref<2x200x128xf32, #tpu.memory_space<vmem>> -> memref<1x200x128xf32, #tpu.memory_space<vmem>>
    %dma_start3A_25 = tpu.memref_squeeze %dma_start3A_24 : memref<1x200x128xf32, #tpu.memory_space<vmem>> -> memref<200x128xf32, #tpu.memory_space<vmem>>
    %dma_start3A_26 = arith.constant 0 : i32
    %dma_start3A_27 = tpu.memref_slice %arg2[%add3A_20, %dma_start3A_26] : memref<320000x128xf32, #tpu.memory_space<hbm>> -> memref<200x128xf32, #tpu.memory_space<hbm>>
    %dma_start3A_28 = arith.constant 0 : i32
    %dma_start3A_29 = arith.constant 0 : i32
    %dma_start3A_30 = tpu.memref_slice %arg4[%dma_start3A_21, %dma_start3A_28, %dma_start3A_29] : memref<2x200x128xf32, #tpu.memory_space<vmem>> -> memref<1x200x128xf32, #tpu.memory_space<vmem>>
    %dma_start3A_31 = tpu.memref_squeeze %dma_start3A_30 : memref<1x200x128xf32, #tpu.memory_space<vmem>> -> memref<200x128xf32, #tpu.memory_space<vmem>>
    %dma_start3A_32 = arith.constant 0 : i32
    %dma_start3A_33 = tpu.memref_slice %arg2[%add3A_20, %dma_start3A_32] : memref<320000x128xf32, #tpu.memory_space<hbm>> -> memref<200x128xf32, #tpu.memory_space<hbm>>
    tpu.enqueue_dma source(%dma_start3A_33 : memref<200x128xf32, #tpu.memory_space<hbm>>) target(%dma_start3A_31 : memref<200x128xf32, #tpu.memory_space<vmem>>) target_semaphore(%arg7 : memref<!tpu.dma_semaphore, #tpu.memory_space<semaphore_mem>>)
    %broadcast_in_dim3A = arith.constant 0.000000e+00 : f32
    %broadcast_in_dim3A_34 = vector.broadcast %broadcast_in_dim3A : f32 to vector<16xf32>
    %broadcast_in_dim3A_35 = arith.constant 0.000000e+00 : f32
    %broadcast_in_dim3A_36 = vector.broadcast %broadcast_in_dim3A_35 : f32 to vector<16xf32>
    %broadcast_in_dim3A_37 = arith.constant 0.000000e+00 : f32
    %broadcast_in_dim3A_38 = vector.broadcast %broadcast_in_dim3A_37 : f32 to vector<16xf32>
    %broadcast_in_dim3A_39 = arith.constant 0.000000e+00 : f32
    %broadcast_in_dim3A_40 = vector.broadcast %broadcast_in_dim3A_39 : f32 to vector<16xf32>
    %broadcast_in_dim3A_41 = arith.constant 0.000000e+00 : f32
    %broadcast_in_dim3A_42 = vector.broadcast %broadcast_in_dim3A_41 : f32 to vector<16xf32>
    %broadcast_in_dim3A_43 = arith.constant 0.000000e+00 : f32
    %broadcast_in_dim3A_44 = vector.broadcast %broadcast_in_dim3A_43 : f32 to vector<16xf32>
    %broadcast_in_dim3A_45 = arith.constant 0.000000e+00 : f32
    %broadcast_in_dim3A_46 = vector.broadcast %broadcast_in_dim3A_45 : f32 to vector<16xf32>
    %broadcast_in_dim3A_47 = arith.constant 0.000000e+00 : f32
    %broadcast_in_dim3A_48 = vector.broadcast %broadcast_in_dim3A_47 : f32 to vector<16xf32>
    %scan3A = arith.constant 0 : i32
    %scan3A_49 = arith.constant 11 : i32
    %scan3A_50 = arith.addi %scan3A, %scan3A_49 : i32
    %scan3A_51 = arith.constant 1 : i32
    %scan3A_52:8 = scf.for %scan3A_87 = %scan3A to %scan3A_50 step %scan3A_51 iter_args(%scan3A_88 = %broadcast_in_dim3A_34, %scan3A_89 = %broadcast_in_dim3A_36, %scan3A_90 = %broadcast_in_dim3A_38, %scan3A_91 = %broadcast_in_dim3A_40, %scan3A_92 = %broadcast_in_dim3A_42, %scan3A_93 = %broadcast_in_dim3A_44, %scan3A_94 = %broadcast_in_dim3A_46, %scan3A_95 = %broadcast_in_dim3A_48) -> (vector<16xf32>, vector<16xf32>, vector<16xf32>, vector<16xf32>, vector<16xf32>, vector<16xf32>, vector<16xf32>, vector<16xf32>)  : i32 {
      %mul3A_96 = arith.constant 2 : i32
      %mul3A_97 = arith.muli %scan3A_87, %mul3A_96 : i32
      %add3A_98 = arith.constant 0 : i32
      %add3A_99 = arith.addi %mul3A_97, %add3A_98 : i32
      %mul3A_100 = arith.constant 200 : i32
      %mul3A_101 = arith.muli %add3A_99, %mul3A_100 : i32
      %add3A_102 = arith.addi %add3A_4, %mul3A_101 : i32
      %dma_wait3A = arith.constant 0 : i32
      %dma_wait3A_103 = arith.constant 0 : i32
      %dma_wait3A_104 = arith.constant 0 : i32
      %dma_wait3A_105 = tpu.memref_slice %arg4[%dma_wait3A, %dma_wait3A_103, %dma_wait3A_104] : memref<2x200x128xf32, #tpu.memory_space<vmem>> -> memref<1x200x128xf32, #tpu.memory_space<vmem>>
      %dma_wait3A_106 = tpu.memref_squeeze %dma_wait3A_105 : memref<1x200x128xf32, #tpu.memory_space<vmem>> -> memref<200x128xf32, #tpu.memory_space<vmem>>
      %dma_wait3A_107 = arith.constant 0 : i32
      %dma_wait3A_108 = tpu.memref_slice %arg2[%add3A_102, %dma_wait3A_107] : memref<320000x128xf32, #tpu.memory_space<hbm>> -> memref<200x128xf32, #tpu.memory_space<hbm>>
      %dma_wait3A_109 = arith.constant 0 : i32
      %dma_wait3A_110 = arith.constant 0 : i32
      %dma_wait3A_111 = tpu.memref_slice %arg4[%dma_wait3A, %dma_wait3A_109, %dma_wait3A_110] : memref<2x200x128xf32, #tpu.memory_space<vmem>> -> memref<1x200x128xf32, #tpu.memory_space<vmem>>
      %dma_wait3A_112 = tpu.memref_squeeze %dma_wait3A_111 : memref<1x200x128xf32, #tpu.memory_space<vmem>> -> memref<200x128xf32, #tpu.memory_space<vmem>>
      %dma_wait3A_113 = arith.constant 0 : i32
      %dma_wait3A_114 = tpu.memref_slice %arg2[%add3A_102, %dma_wait3A_113] : memref<320000x128xf32, #tpu.memory_space<hbm>> -> memref<200x128xf32, #tpu.memory_space<hbm>>
      tpu.wait_dma2 semaphore(%arg6 : memref<!tpu.dma_semaphore, #tpu.memory_space<semaphore_mem>>) src(%dma_wait3A_114 : memref<200x128xf32, #tpu.memory_space<hbm>>) dst(%dma_wait3A_112 : memref<200x128xf32, #tpu.memory_space<vmem>>)
      %scan3A_115 = arith.constant 0 : i32
      %scan3A_116 = arith.constant 200 : i32
      %scan3A_117 = arith.addi %scan3A_115, %scan3A_116 : i32
      %scan3A_118 = arith.constant 1 : i32
      %scan3A_119:8 = scf.for %scan3A_158 = %scan3A_115 to %scan3A_117 step %scan3A_118 iter_args(%scan3A_159 = %scan3A_88, %scan3A_160 = %scan3A_89, %scan3A_161 = %scan3A_90, %scan3A_162 = %scan3A_91, %scan3A_163 = %scan3A_92, %scan3A_164 = %scan3A_93, %scan3A_165 = %scan3A_94, %scan3A_166 = %scan3A_95) -> (vector<16xf32>, vector<16xf32>, vector<16xf32>, vector<16xf32>, vector<16xf32>, vector<16xf32>, vector<16xf32>, vector<16xf32>)  : i32 {
        %get3A = arith.constant 0 : i32
        %get3A_167 = arith.index_cast %get3A : i32 to index
        %get3A_168 = arith.index_cast %scan3A_158 : i32 to index
        %get3A_169 = arith.constant 0 : index
        %get3A_170 = tpu.vector_load %arg4[%get3A_167, %get3A_168, %get3A_169] {strides = array<i32>} : memref<2x200x128xf32, #tpu.memory_space<vmem>>, vector<1x1x16xf32>,
        %get3A_171 = vector.shape_cast %get3A_170 : vector<1x1x16xf32> to vector<16xf32>
        %add3A_172 = arith.addf %scan3A_159, %get3A_171 : vector<16xf32>
        %get3A_173 = arith.constant 0 : i32
        %get3A_174 = arith.index_cast %get3A_173 : i32 to index
        %get3A_175 = arith.index_cast %scan3A_158 : i32 to index
        %get3A_176 = arith.constant 16 : index
        %get3A_177 = tpu.vector_load %arg4[%get3A_174, %get3A_175, %get3A_176] {strides = array<i32>} : memref<2x200x128xf32, #tpu.memory_space<vmem>>, vector<1x1x16xf32>,
        %get3A_178 = vector.shape_cast %get3A_177 : vector<1x1x16xf32> to vector<16xf32>
        %add3A_179 = arith.addf %scan3A_160, %get3A_178 : vector<16xf32>
        %get3A_180 = arith.constant 0 : i32
        %get3A_181 = arith.index_cast %get3A_180 : i32 to index
        %get3A_182 = arith.index_cast %scan3A_158 : i32 to index
        %get3A_183 = arith.constant 32 : index
        %get3A_184 = tpu.vector_load %arg4[%get3A_181, %get3A_182, %get3A_183] {strides = array<i32>} : memref<2x200x128xf32, #tpu.memory_space<vmem>>, vector<1x1x16xf32>,
        %get3A_185 = vector.shape_cast %get3A_184 : vector<1x1x16xf32> to vector<16xf32>
        %add3A_186 = arith.addf %scan3A_161, %get3A_185 : vector<16xf32>
        %get3A_187 = arith.constant 0 : i32
        %get3A_188 = arith.index_cast %get3A_187 : i32 to index
        %get3A_189 = arith.index_cast %scan3A_158 : i32 to index
        %get3A_190 = arith.constant 48 : index
        %get3A_191 = tpu.vector_load %arg4[%get3A_188, %get3A_189, %get3A_190] {strides = array<i32>} : memref<2x200x128xf32, #tpu.memory_space<vmem>>, vector<1x1x16xf32>,
        %get3A_192 = vector.shape_cast %get3A_191 : vector<1x1x16xf32> to vector<16xf32>
        %add3A_193 = arith.addf %scan3A_162, %get3A_192 : vector<16xf32>
        %get3A_194 = arith.constant 0 : i32
        %get3A_195 = arith.index_cast %get3A_194 : i32 to index
        %get3A_196 = arith.index_cast %scan3A_158 : i32 to index
        %get3A_197 = arith.constant 64 : index
        %get3A_198 = tpu.vector_load %arg4[%get3A_195, %get3A_196, %get3A_197] {strides = array<i32>} : memref<2x200x128xf32, #tpu.memory_space<vmem>>, vector<1x1x16xf32>,
        %get3A_199 = vector.shape_cast %get3A_198 : vector<1x1x16xf32> to vector<16xf32>
        %add3A_200 = arith.addf %scan3A_163, %get3A_199 : vector<16xf32>
        %get3A_201 = arith.constant 0 : i32
        %get3A_202 = arith.index_cast %get3A_201 : i32 to index
        %get3A_203 = arith.index_cast %scan3A_158 : i32 to index
        %get3A_204 = arith.constant 80 : index
        %get3A_205 = tpu.vector_load %arg4[%get3A_202, %get3A_203, %get3A_204] {strides = array<i32>} : memref<2x200x128xf32, #tpu.memory_space<vmem>>, vector<1x1x16xf32>,
        %get3A_206 = vector.shape_cast %get3A_205 : vector<1x1x16xf32> to vector<16xf32>
        %add3A_207 = arith.addf %scan3A_164, %get3A_206 : vector<16xf32>
        %get3A_208 = arith.constant 0 : i32
        %get3A_209 = arith.index_cast %get3A_208 : i32 to index
        %get3A_210 = arith.index_cast %scan3A_158 : i32 to index
        %get3A_211 = arith.constant 96 : index
        %get3A_212 = tpu.vector_load %arg4[%get3A_209, %get3A_210, %get3A_211] {strides = array<i32>} : memref<2x200x128xf32, #tpu.memory_space<vmem>>, vector<1x1x16xf32>,
        %get3A_213 = vector.shape_cast %get3A_212 : vector<1x1x16xf32> to vector<16xf32>
        %add3A_214 = arith.addf %scan3A_165, %get3A_213 : vector<16xf32>
        %get3A_215 = arith.constant 0 : i32
        %get3A_216 = arith.index_cast %get3A_215 : i32 to index
        %get3A_217 = arith.index_cast %scan3A_158 : i32 to index
        %get3A_218 = arith.constant 112 : index
        %get3A_219 = tpu.vector_load %arg4[%get3A_216, %get3A_217, %get3A_218] {strides = array<i32>} : memref<2x200x128xf32, #tpu.memory_space<vmem>>, vector<1x1x16xf32>,
        %get3A_220 = vector.shape_cast %get3A_219 : vector<1x1x16xf32> to vector<16xf32>
        %add3A_221 = arith.addf %scan3A_166, %get3A_220 : vector<16xf32>
        scf.yield %add3A_172, %add3A_179, %add3A_186, %add3A_193, %add3A_200, %add3A_207, %add3A_214, %add3A_221 : vector<16xf32>, vector<16xf32>, vector<16xf32>, vector<16xf32>, vector<16xf32>, vector<16xf32>, vector<16xf32>, vector<16xf32>
      }
      %scan3A_120 = arith.constant 200 : i32
      %add3A_121 = arith.constant 2 : i32
      %add3A_122 = arith.addi %add3A_99, %add3A_121 : i32
      %lt3A = arith.constant 22 : i32
      %lt3A_123 = arith.cmpi slt, %add3A_122, %lt3A : i32
      %convert_element_type3A = arith.extui %lt3A_123 : i1 to i32
      %cond3A = arith.constant 0 : i32
      %cond3A_124 = arith.cmpi ne, %convert_element_type3A, %cond3A : i32
      scf.if %cond3A_124 {
        %add3A_158 = arith.constant 2 : i32
        %add3A_159 = arith.addi %add3A_99, %add3A_158 : i32
        %mul3A_160 = arith.constant 200 : i32
        %mul3A_161 = arith.muli %add3A_159, %mul3A_160 : i32
        %add3A_162 = arith.addi %add3A_4, %mul3A_161 : i32
        %dma_start3A_163 = arith.constant 0 : i32
        %dma_start3A_164 = arith.constant 0 : i32
        %dma_start3A_165 = arith.constant 0 : i32
        %dma_start3A_166 = tpu.memref_slice %arg4[%dma_start3A_163, %dma_start3A_164, %dma_start3A_165] : memref<2x200x128xf32, #tpu.memory_space<vmem>> -> memref<1x200x128xf32, #tpu.memory_space<vmem>>
        %dma_start3A_167 = tpu.memref_squeeze %dma_start3A_166 : memref<1x200x128xf32, #tpu.memory_space<vmem>> -> memref<200x128xf32, #tpu.memory_space<vmem>>
        %dma_start3A_168 = arith.constant 0 : i32
        %dma_start3A_169 = tpu.memref_slice %arg2[%add3A_162, %dma_start3A_168] : memref<320000x128xf32, #tpu.memory_space<hbm>> -> memref<200x128xf32, #tpu.memory_space<hbm>>
        %dma_start3A_170 = arith.constant 0 : i32
        %dma_start3A_171 = arith.constant 0 : i32
        %dma_start3A_172 = tpu.memref_slice %arg4[%dma_start3A_163, %dma_start3A_170, %dma_start3A_171] : memref<2x200x128xf32, #tpu.memory_space<vmem>> -> memref<1x200x128xf32, #tpu.memory_space<vmem>>
        %dma_start3A_173 = tpu.memref_squeeze %dma_start3A_172 : memref<1x200x128xf32, #tpu.memory_space<vmem>> -> memref<200x128xf32, #tpu.memory_space<vmem>>
        %dma_start3A_174 = arith.constant 0 : i32
        %dma_start3A_175 = tpu.memref_slice %arg2[%add3A_162, %dma_start3A_174] : memref<320000x128xf32, #tpu.memory_space<hbm>> -> memref<200x128xf32, #tpu.memory_space<hbm>>
        tpu.enqueue_dma source(%dma_start3A_175 : memref<200x128xf32, #tpu.memory_space<hbm>>) target(%dma_start3A_173 : memref<200x128xf32, #tpu.memory_space<vmem>>) target_semaphore(%arg6 : memref<!tpu.dma_semaphore, #tpu.memory_space<semaphore_mem>>)
      } else {
      }
      %mul3A_125 = arith.constant 2 : i32
      %mul3A_126 = arith.muli %scan3A_87, %mul3A_125 : i32
      %add3A_127 = arith.constant 1 : i32
      %add3A_128 = arith.addi %mul3A_126, %add3A_127 : i32
      %mul3A_129 = arith.constant 200 : i32
      %mul3A_130 = arith.muli %add3A_128, %mul3A_129 : i32
      %add3A_131 = arith.addi %add3A_4, %mul3A_130 : i32
      %dma_wait3A_132 = arith.constant 1 : i32
      %dma_wait3A_133 = arith.constant 0 : i32
      %dma_wait3A_134 = arith.constant 0 : i32
      %dma_wait3A_135 = tpu.memref_slice %arg4[%dma_wait3A_132, %dma_wait3A_133, %dma_wait3A_134] : memref<2x200x128xf32, #tpu.memory_space<vmem>> -> memref<1x200x128xf32, #tpu.memory_space<vmem>>
      %dma_wait3A_136 = tpu.memref_squeeze %dma_wait3A_135 : memref<1x200x128xf32, #tpu.memory_space<vmem>> -> memref<200x128xf32, #tpu.memory_space<vmem>>
      %dma_wait3A_137 = arith.constant 0 : i32
      %dma_wait3A_138 = tpu.memref_slice %arg2[%add3A_131, %dma_wait3A_137] : memref<320000x128xf32, #tpu.memory_space<hbm>> -> memref<200x128xf32, #tpu.memory_space<hbm>>
      %dma_wait3A_139 = arith.constant 0 : i32
      %dma_wait3A_140 = arith.constant 0 : i32
      %dma_wait3A_141 = tpu.memref_slice %arg4[%dma_wait3A_132, %dma_wait3A_139, %dma_wait3A_140] : memref<2x200x128xf32, #tpu.memory_space<vmem>> -> memref<1x200x128xf32, #tpu.memory_space<vmem>>
      %dma_wait3A_142 = tpu.memref_squeeze %dma_wait3A_141 : memref<1x200x128xf32, #tpu.memory_space<vmem>> -> memref<200x128xf32, #tpu.memory_space<vmem>>
      %dma_wait3A_143 = arith.constant 0 : i32
      %dma_wait3A_144 = tpu.memref_slice %arg2[%add3A_131, %dma_wait3A_143] : memref<320000x128xf32, #tpu.memory_space<hbm>> -> memref<200x128xf32, #tpu.memory_space<hbm>>
      tpu.wait_dma2 semaphore(%arg7 : memref<!tpu.dma_semaphore, #tpu.memory_space<semaphore_mem>>) src(%dma_wait3A_144 : memref<200x128xf32, #tpu.memory_space<hbm>>) dst(%dma_wait3A_142 : memref<200x128xf32, #tpu.memory_space<vmem>>)
      %scan3A_145 = arith.constant 0 : i32
      %scan3A_146 = arith.constant 200 : i32
      %scan3A_147 = arith.addi %scan3A_145, %scan3A_146 : i32
      %scan3A_148 = arith.constant 1 : i32
      %scan3A_149:8 = scf.for %scan3A_158 = %scan3A_145 to %scan3A_147 step %scan3A_148 iter_args(%scan3A_159 = %scan3A_119#0, %scan3A_160 = %scan3A_119#1, %scan3A_161 = %scan3A_119#2, %scan3A_162 = %scan3A_119#3, %scan3A_163 = %scan3A_119#4, %scan3A_164 = %scan3A_119#5, %scan3A_165 = %scan3A_119#6, %scan3A_166 = %scan3A_119#7) -> (vector<16xf32>, vector<16xf32>, vector<16xf32>, vector<16xf32>, vector<16xf32>, vector<16xf32>, vector<16xf32>, vector<16xf32>)  : i32 {
        %get3A = arith.constant 1 : i32
        %get3A_167 = arith.index_cast %get3A : i32 to index
        %get3A_168 = arith.index_cast %scan3A_158 : i32 to index
        %get3A_169 = arith.constant 0 : index
        %get3A_170 = tpu.vector_load %arg4[%get3A_167, %get3A_168, %get3A_169] {strides = array<i32>} : memref<2x200x128xf32, #tpu.memory_space<vmem>>, vector<1x1x16xf32>,
        %get3A_171 = vector.shape_cast %get3A_170 : vector<1x1x16xf32> to vector<16xf32>
        %add3A_172 = arith.addf %scan3A_159, %get3A_171 : vector<16xf32>
        %get3A_173 = arith.constant 1 : i32
        %get3A_174 = arith.index_cast %get3A_173 : i32 to index
        %get3A_175 = arith.index_cast %scan3A_158 : i32 to index
        %get3A_176 = arith.constant 16 : index
        %get3A_177 = tpu.vector_load %arg4[%get3A_174, %get3A_175, %get3A_176] {strides = array<i32>} : memref<2x200x128xf32, #tpu.memory_space<vmem>>, vector<1x1x16xf32>,
        %get3A_178 = vector.shape_cast %get3A_177 : vector<1x1x16xf32> to vector<16xf32>
        %add3A_179 = arith.addf %scan3A_160, %get3A_178 : vector<16xf32>
        %get3A_180 = arith.constant 1 : i32
        %get3A_181 = arith.index_cast %get3A_180 : i32 to index
        %get3A_182 = arith.index_cast %scan3A_158 : i32 to index
        %get3A_183 = arith.constant 32 : index
        %get3A_184 = tpu.vector_load %arg4[%get3A_181, %get3A_182, %get3A_183] {strides = array<i32>} : memref<2x200x128xf32, #tpu.memory_space<vmem>>, vector<1x1x16xf32>,
        %get3A_185 = vector.shape_cast %get3A_184 : vector<1x1x16xf32> to vector<16xf32>
        %add3A_186 = arith.addf %scan3A_161, %get3A_185 : vector<16xf32>
        %get3A_187 = arith.constant 1 : i32
        %get3A_188 = arith.index_cast %get3A_187 : i32 to index
        %get3A_189 = arith.index_cast %scan3A_158 : i32 to index
        %get3A_190 = arith.constant 48 : index
        %get3A_191 = tpu.vector_load %arg4[%get3A_188, %get3A_189, %get3A_190] {strides = array<i32>} : memref<2x200x128xf32, #tpu.memory_space<vmem>>, vector<1x1x16xf32>,
        %get3A_192 = vector.shape_cast %get3A_191 : vector<1x1x16xf32> to vector<16xf32>
        %add3A_193 = arith.addf %scan3A_162, %get3A_192 : vector<16xf32>
        %get3A_194 = arith.constant 1 : i32
        %get3A_195 = arith.index_cast %get3A_194 : i32 to index
        %get3A_196 = arith.index_cast %scan3A_158 : i32 to index
        %get3A_197 = arith.constant 64 : index
        %get3A_198 = tpu.vector_load %arg4[%get3A_195, %get3A_196, %get3A_197] {strides = array<i32>} : memref<2x200x128xf32, #tpu.memory_space<vmem>>, vector<1x1x16xf32>,
        %get3A_199 = vector.shape_cast %get3A_198 : vector<1x1x16xf32> to vector<16xf32>
        %add3A_200 = arith.addf %scan3A_163, %get3A_199 : vector<16xf32>
        %get3A_201 = arith.constant 1 : i32
        %get3A_202 = arith.index_cast %get3A_201 : i32 to index
        %get3A_203 = arith.index_cast %scan3A_158 : i32 to index
        %get3A_204 = arith.constant 80 : index
        %get3A_205 = tpu.vector_load %arg4[%get3A_202, %get3A_203, %get3A_204] {strides = array<i32>} : memref<2x200x128xf32, #tpu.memory_space<vmem>>, vector<1x1x16xf32>,
        %get3A_206 = vector.shape_cast %get3A_205 : vector<1x1x16xf32> to vector<16xf32>
        %add3A_207 = arith.addf %scan3A_164, %get3A_206 : vector<16xf32>
        %get3A_208 = arith.constant 1 : i32
        %get3A_209 = arith.index_cast %get3A_208 : i32 to index
        %get3A_210 = arith.index_cast %scan3A_158 : i32 to index
        %get3A_211 = arith.constant 96 : index
        %get3A_212 = tpu.vector_load %arg4[%get3A_209, %get3A_210, %get3A_211] {strides = array<i32>} : memref<2x200x128xf32, #tpu.memory_space<vmem>>, vector<1x1x16xf32>,
        %get3A_213 = vector.shape_cast %get3A_212 : vector<1x1x16xf32> to vector<16xf32>
        %add3A_214 = arith.addf %scan3A_165, %get3A_213 : vector<16xf32>
        %get3A_215 = arith.constant 1 : i32
        %get3A_216 = arith.index_cast %get3A_215 : i32 to index
        %get3A_217 = arith.index_cast %scan3A_158 : i32 to index
        %get3A_218 = arith.constant 112 : index
        %get3A_219 = tpu.vector_load %arg4[%get3A_216, %get3A_217, %get3A_218] {strides = array<i32>} : memref<2x200x128xf32, #tpu.memory_space<vmem>>, vector<1x1x16xf32>,
        %get3A_220 = vector.shape_cast %get3A_219 : vector<1x1x16xf32> to vector<16xf32>
        %add3A_221 = arith.addf %scan3A_166, %get3A_220 : vector<16xf32>
        scf.yield %add3A_172, %add3A_179, %add3A_186, %add3A_193, %add3A_200, %add3A_207, %add3A_214, %add3A_221 : vector<16xf32>, vector<16xf32>, vector<16xf32>, vector<16xf32>, vector<16xf32>, vector<16xf32>, vector<16xf32>, vector<16xf32>
      }
      %scan3A_150 = arith.constant 200 : i32
      %add3A_151 = arith.constant 2 : i32
      %add3A_152 = arith.addi %add3A_128, %add3A_151 : i32
      %lt3A_153 = arith.constant 22 : i32
      %lt3A_154 = arith.cmpi slt, %add3A_152, %lt3A_153 : i32
      %convert_element_type3A_155 = arith.extui %lt3A_154 : i1 to i32
      %cond3A_156 = arith.constant 0 : i32
      %cond3A_157 = arith.cmpi ne, %convert_element_type3A_155, %cond3A_156 : i32
      scf.if %cond3A_157 {
        %add3A_158 = arith.constant 2 : i32
        %add3A_159 = arith.addi %add3A_128, %add3A_158 : i32
        %mul3A_160 = arith.constant 200 : i32
        %mul3A_161 = arith.muli %add3A_159, %mul3A_160 : i32
        %add3A_162 = arith.addi %add3A_4, %mul3A_161 : i32
        %dma_start3A_163 = arith.constant 1 : i32
        %dma_start3A_164 = arith.constant 0 : i32
        %dma_start3A_165 = arith.constant 0 : i32
        %dma_start3A_166 = tpu.memref_slice %arg4[%dma_start3A_163, %dma_start3A_164, %dma_start3A_165] : memref<2x200x128xf32, #tpu.memory_space<vmem>> -> memref<1x200x128xf32, #tpu.memory_space<vmem>>
        %dma_start3A_167 = tpu.memref_squeeze %dma_start3A_166 : memref<1x200x128xf32, #tpu.memory_space<vmem>> -> memref<200x128xf32, #tpu.memory_space<vmem>>
        %dma_start3A_168 = arith.constant 0 : i32
        %dma_start3A_169 = tpu.memref_slice %arg2[%add3A_162, %dma_start3A_168] : memref<320000x128xf32, #tpu.memory_space<hbm>> -> memref<200x128xf32, #tpu.memory_space<hbm>>
        %dma_start3A_170 = arith.constant 0 : i32
        %dma_start3A_171 = arith.constant 0 : i32
        %dma_start3A_172 = tpu.memref_slice %arg4[%dma_start3A_163, %dma_start3A_170, %dma_start3A_171] : memref<2x200x128xf32, #tpu.memory_space<vmem>> -> memref<1x200x128xf32, #tpu.memory_space<vmem>>
        %dma_start3A_173 = tpu.memref_squeeze %dma_start3A_172 : memref<1x200x128xf32, #tpu.memory_space<vmem>> -> memref<200x128xf32, #tpu.memory_space<vmem>>
        %dma_start3A_174 = arith.constant 0 : i32
        %dma_start3A_175 = tpu.memref_slice %arg2[%add3A_162, %dma_start3A_174] : memref<320000x128xf32, #tpu.memory_space<hbm>> -> memref<200x128xf32, #tpu.memory_space<hbm>>
        tpu.enqueue_dma source(%dma_start3A_175 : memref<200x128xf32, #tpu.memory_space<hbm>>) target(%dma_start3A_173 : memref<200x128xf32, #tpu.memory_space<vmem>>) target_semaphore(%arg7 : memref<!tpu.dma_semaphore, #tpu.memory_space<semaphore_mem>>)
      } else {
      }
      scf.yield %scan3A_149#0, %scan3A_149#1, %scan3A_149#2, %scan3A_149#3, %scan3A_149#4, %scan3A_149#5, %scan3A_149#6, %scan3A_149#7 : vector<16xf32>, vector<16xf32>, vector<16xf32>, vector<16xf32>, vector<16xf32>, vector<16xf32>, vector<16xf32>, vector<16xf32>
    }
    %scan3A_53 = arith.constant 11 : i32
    %swap3A = arith.constant 0 : index
    %swap3A_54 = tpu.vector_load %arg5[%swap3A] {strides = array<i32>} : memref<128xf32, #tpu.memory_space<vmem>>, vector<16xf32>,
    %swap3A_55 = vector.shape_cast %swap3A_54 : vector<16xf32> to vector<16xf32>
    %swap3A_56 = vector.shape_cast %scan3A_52#0 : vector<16xf32> to vector<16xf32>
    tpu.vector_store %arg5[%swap3A], %swap3A_56 {strides = array<i32>} : memref<128xf32, #tpu.memory_space<vmem>>, vector<16xf32>,
    %swap3A_57 = arith.constant 16 : index
    %swap3A_58 = tpu.vector_load %arg5[%swap3A_57] {strides = array<i32>} : memref<128xf32, #tpu.memory_space<vmem>>, vector<16xf32>,
    %swap3A_59 = vector.shape_cast %swap3A_58 : vector<16xf32> to vector<16xf32>
    %swap3A_60 = vector.shape_cast %scan3A_52#1 : vector<16xf32> to vector<16xf32>
    tpu.vector_store %arg5[%swap3A_57], %swap3A_60 {strides = array<i32>} : memref<128xf32, #tpu.memory_space<vmem>>, vector<16xf32>,
    %swap3A_61 = arith.constant 32 : index
    %swap3A_62 = tpu.vector_load %arg5[%swap3A_61] {strides = array<i32>} : memref<128xf32, #tpu.memory_space<vmem>>, vector<16xf32>,
    %swap3A_63 = vector.shape_cast %swap3A_62 : vector<16xf32> to vector<16xf32>
    %swap3A_64 = vector.shape_cast %scan3A_52#2 : vector<16xf32> to vector<16xf32>
    tpu.vector_store %arg5[%swap3A_61], %swap3A_64 {strides = array<i32>} : memref<128xf32, #tpu.memory_space<vmem>>, vector<16xf32>,
    %swap3A_65 = arith.constant 48 : index
    %swap3A_66 = tpu.vector_load %arg5[%swap3A_65] {strides = array<i32>} : memref<128xf32, #tpu.memory_space<vmem>>, vector<16xf32>,
    %swap3A_67 = vector.shape_cast %swap3A_66 : vector<16xf32> to vector<16xf32>
    %swap3A_68 = vector.shape_cast %scan3A_52#3 : vector<16xf32> to vector<16xf32>
    tpu.vector_store %arg5[%swap3A_65], %swap3A_68 {strides = array<i32>} : memref<128xf32, #tpu.memory_space<vmem>>, vector<16xf32>,
    %swap3A_69 = arith.constant 64 : index
    %swap3A_70 = tpu.vector_load %arg5[%swap3A_69] {strides = array<i32>} : memref<128xf32, #tpu.memory_space<vmem>>, vector<16xf32>,
    %swap3A_71 = vector.shape_cast %swap3A_70 : vector<16xf32> to vector<16xf32>
    %swap3A_72 = vector.shape_cast %scan3A_52#4 : vector<16xf32> to vector<16xf32>
    tpu.vector_store %arg5[%swap3A_69], %swap3A_72 {strides = array<i32>} : memref<128xf32, #tpu.memory_space<vmem>>, vector<16xf32>,
    %swap3A_73 = arith.constant 80 : index
    %swap3A_74 = tpu.vector_load %arg5[%swap3A_73] {strides = array<i32>} : memref<128xf32, #tpu.memory_space<vmem>>, vector<16xf32>,
    %swap3A_75 = vector.shape_cast %swap3A_74 : vector<16xf32> to vector<16xf32>
    %swap3A_76 = vector.shape_cast %scan3A_52#5 : vector<16xf32> to vector<16xf32>
    tpu.vector_store %arg5[%swap3A_73], %swap3A_76 {strides = array<i32>} : memref<128xf32, #tpu.memory_space<vmem>>, vector<16xf32>,
    %swap3A_77 = arith.constant 96 : index
    %swap3A_78 = tpu.vector_load %arg5[%swap3A_77] {strides = array<i32>} : memref<128xf32, #tpu.memory_space<vmem>>, vector<16xf32>,
    %swap3A_79 = vector.shape_cast %swap3A_78 : vector<16xf32> to vector<16xf32>
    %swap3A_80 = vector.shape_cast %scan3A_52#6 : vector<16xf32> to vector<16xf32>
    tpu.vector_store %arg5[%swap3A_77], %swap3A_80 {strides = array<i32>} : memref<128xf32, #tpu.memory_space<vmem>>, vector<16xf32>,
    %swap3A_81 = arith.constant 112 : index
    %swap3A_82 = tpu.vector_load %arg5[%swap3A_81] {strides = array<i32>} : memref<128xf32, #tpu.memory_space<vmem>>, vector<16xf32>,
    %swap3A_83 = vector.shape_cast %swap3A_82 : vector<16xf32> to vector<16xf32>
    %swap3A_84 = vector.shape_cast %scan3A_52#7 : vector<16xf32> to vector<16xf32>
    tpu.vector_store %arg5[%swap3A_81], %swap3A_84 {strides = array<i32>} : memref<128xf32, #tpu.memory_space<vmem>>, vector<16xf32>,
    %mul3A_85 = arith.constant 128 : i32
    %mul3A_86 = arith.muli %add3A, %mul3A_85 : i32
    "tpu.region"() ({
      %run_scoped3A = tpu.sem_alloc : memref<!tpu.dma_semaphore, #tpu.memory_space<semaphore_mem>>
      %dma_start3A_87 = tpu.memref_slice %arg3[%mul3A_86] : memref<4096xf32, #tpu.memory_space<hbm>> -> memref<128xf32, #tpu.memory_space<hbm>>
      %dma_start3A_88 = tpu.memref_slice %arg3[%mul3A_86] : memref<4096xf32, #tpu.memory_space<hbm>> -> memref<128xf32, #tpu.memory_space<hbm>>
      tpu.enqueue_dma source(%arg5 : memref<128xf32, #tpu.memory_space<vmem>>) target(%dma_start3A_88 : memref<128xf32, #tpu.memory_space<hbm>>) target_semaphore(%run_scoped3A : memref<!tpu.dma_semaphore, #tpu.memory_space<semaphore_mem>>)
      %dma_wait3A = tpu.memref_slice %arg3[%mul3A_86] : memref<4096xf32, #tpu.memory_space<hbm>> -> memref<128xf32, #tpu.memory_space<hbm>>
      %dma_wait3A_89 = tpu.memref_slice %arg3[%mul3A_86] : memref<4096xf32, #tpu.memory_space<hbm>> -> memref<128xf32, #tpu.memory_space<hbm>>
      tpu.wait_dma2 semaphore(%run_scoped3A : memref<!tpu.dma_semaphore, #tpu.memory_space<semaphore_mem>>) src(%arg5 : memref<128xf32, #tpu.memory_space<vmem>>) dst(%dma_wait3A_89 : memref<128xf32, #tpu.memory_space<hbm>>)
      tpu.yield
    }) : () -> ()
    return
  }
}

module attributes {stable_mosaic.version = 14 : i64} {
  func.func @_tc_body(%arg0: i32, %arg1: memref<22400x128xf32, #tpu.memory_space<vmem>>, %arg2: memref<1x128xf32, #tpu.memory_space<vmem>>) attributes {dimension_semantics = [#tpu.dimension_semantics<arbitrary>], iteration_bounds = array<i64: 8>, scalar_prefetch = 0 : i64, scratch_operands = 0 : i64, tpu.core_type = #tpu.core_type<tc>, window_params = [{transform_indices = @transform_0, window_bounds = array<i64: 22400, 128>}, {pipeline_mode = #tpu.pipeline_mode<synchronous>, transform_indices = @transform_1, window_bounds = array<i64: 1, 128>}]} {
    %eq3A = arith.constant 0 : i32
    %eq3A_0 = arith.cmpi eq, %arg0, %eq3A : i32
    %convert_element_type3A = arith.extui %eq3A_0 : i1 to i32
    %cond3A = arith.constant 0 : i32
    %cond3A_1 = arith.cmpi ne, %convert_element_type3A, %cond3A : i32
    scf.if %cond3A_1 {
      %broadcast_in_dim3A_10 = arith.constant 0.000000e+00 : f32
      %broadcast_in_dim3A_11 = vector.broadcast %broadcast_in_dim3A_10 : f32 to vector<1x128xf32>
      %swap3A_12 = arith.constant 0 : index
      %swap3A_13 = arith.constant 0 : index
      %swap3A_14 = vector.load %arg2[%swap3A_12, %swap3A_13] : memref<1x128xf32, #tpu.memory_space<vmem>>, vector<1x128xf32>
      tpu.vector_store %arg2[%swap3A_12, %swap3A_13], %broadcast_in_dim3A_11 {strides = array<i32>} : memref<1x128xf32, #tpu.memory_space<vmem>>, vector<1x128xf32>,
    } else {
    }
    %get3A = arith.constant 0 : index
    %get3A_2 = arith.constant 0 : index
    %get3A_3 = vector.load %arg2[%get3A, %get3A_2] : memref<1x128xf32, #tpu.memory_space<vmem>>, vector<1x128xf32>
    %get3A_4 = arith.constant 0 : index
    %get3A_5 = arith.constant 0 : index
    %get3A_6 = vector.load %arg1[%get3A_4, %get3A_5] : memref<22400x128xf32, #tpu.memory_space<vmem>>, vector<22400x128xf32>
    %reduce_sum3A = arith.constant dense<0.000000e+00> : vector<128xf32>
    %reduce_sum3A_7 = vector.multi_reduction <add>, %get3A_6, %reduce_sum3A [0] : vector<22400x128xf32> to vector<128xf32>
    %broadcast_in_dim3A = vector.shape_cast %reduce_sum3A_7 : vector<128xf32> to vector<1x128xf32>
    %add3A = arith.addf %get3A_3, %broadcast_in_dim3A : vector<1x128xf32>
    %swap3A = arith.constant 0 : index
    %swap3A_8 = arith.constant 0 : index
    %swap3A_9 = vector.load %arg2[%swap3A, %swap3A_8] : memref<1x128xf32, #tpu.memory_space<vmem>>, vector<1x128xf32>
    tpu.vector_store %arg2[%swap3A, %swap3A_8], %add3A {strides = array<i32>} : memref<1x128xf32, #tpu.memory_space<vmem>>, vector<1x128xf32>,
    return
  }
  func.func @transform_0(%arg0: i32) -> (i32, i32) {
    %c0_i32 = arith.constant 0 : i32
    %c0_i32_0 = arith.constant 0 : i32
    return %arg0, %c0_i32 : i32, i32
  }
  func.func @transform_1(%arg0: i32) -> (i32, i32) {
    %c0_i32 = arith.constant 0 : i32
    %c0_i32_0 = arith.constant 0 : i32
    %c0_i32_1 = arith.constant 0 : i32
    return %c0_i32, %c0_i32_0 : i32, i32
  }
}

module attributes {stable_mosaic.version = 14 : i64} {
  func.func @_finish(%arg0: memref<32x128xf32, #tpu.memory_space<vmem>>, %arg1: memref<1x128xf32, #tpu.memory_space<vmem>>, %arg2: memref<1x128xf32, #tpu.memory_space<vmem>>) attributes {dimension_semantics = [], scalar_prefetch = 0 : i64, scratch_operands = 0 : i64, tpu.core_type = #tpu.core_type<tc>} {
    %get3A = arith.constant 0 : index
    %get3A_0 = arith.constant 0 : index
    %get3A_1 = vector.load %arg0[%get3A, %get3A_0] : memref<32x128xf32, #tpu.memory_space<vmem>>, vector<32x128xf32>
    %reduce_sum3A = arith.constant dense<0.000000e+00> : vector<128xf32>
    %reduce_sum3A_2 = vector.multi_reduction <add>, %get3A_1, %reduce_sum3A [0] : vector<32x128xf32> to vector<128xf32>
    %broadcast_in_dim3A = vector.shape_cast %reduce_sum3A_2 : vector<128xf32> to vector<1x128xf32>
    %get3A_3 = arith.constant 0 : index
    %get3A_4 = arith.constant 0 : index
    %get3A_5 = vector.load %arg1[%get3A_3, %get3A_4] : memref<1x128xf32, #tpu.memory_space<vmem>>, vector<1x128xf32>
    %add3A = arith.addf %broadcast_in_dim3A, %get3A_5 : vector<1x128xf32>
    %swap3A = arith.constant 0 : index
    %swap3A_6 = arith.constant 0 : index
    %swap3A_7 = vector.load %arg2[%swap3A, %swap3A_6] : memref<1x128xf32, #tpu.memory_space<vmem>>, vector<1x128xf32>
    tpu.vector_store %arg2[%swap3A, %swap3A_6], %add3A {strides = array<i32>} : memref<1x128xf32, #tpu.memory_space<vmem>>, vector<1x128xf32>,
    return
  }
}

</mosaic_0001>

<sc_bundles>
// kernel: kernel.5.cloned.1.call-start
scs
__scs_entry_jumppad:
0x0: {  	(pc) =	sbr.rel $0x88, $3  }
0x1: {  	(tag) =	ssettag $0x0;
	lr =	simm.s32 $0x1  }
0x2: {  	[smem:$0x3FA0] =	sst lr;
	_ =	strace $0xD0000000  }
0x3: {  	_ = 	snop  }
0x4: {  	_ = 	snop  }
0x5: {  	_ = 	snop  }
0x6: {  	_ = 	snop  }
0x7: {  	_ = 	snop  }
__scs_overlays_trampoline_lowered:
0x8: {  	[smem:$0x3FAF] =	sst s0  }
0x9: {  	[smem:$0x3FB0] =	sst s1  }
0xa: {  	[smem:$0x3FB1] =	sst s2  }
0xb: {  	[smem:$0x3FB2] =	sst s3  }
0xc: {  	[smem:$0x3FB3] =	sst s4  }
0xd: {  	[smem:$0x3FB4] =	sst s5  }
0xe: {  	[smem:$0x3FB5] =	sst s6  }
0xf: {  	[smem:$0x3FB6] =	sst s7  }
0x10: {  	[smem:$0x3FB7] =	sst s8  }
0x11: {  	[smem:$0x3FB8] =	sst s9;
	s0 =	simm.s32 @!p0 $0x0  }
0x12: {  	s1 =	sld [smem:$0x3F9E];
	s0 =	simm.s32 @p0 $0x1  }
0x13: {  	[smem:$0x3FB9] =	sst s0;
	s0 =	simm.s32 @!p1 $0x0  }
0x14: {  	s2 =	sld [smem:$0x3F9D];
	s0 =	simm.s32 @p1 $0x1  }
0x15: {  	[smem:$0x3FBA] =	sst s0;
	s0 =	simm.s32 @!p2 $0x0  }
0x16: {  	s3 =	sld [smem:$0x3FDB];
	s0 =	simm.s32 @p2 $0x1  }
0x17: {  	s4 =	simm.s32 $0x1BF5;
	[smem:$0x3FBC] =	sst s0  }
0x18: {  	s0 =	sld [smem:$0x3F9F];
	_ =	swait.ge [sflag:s4], $0x0  }
0x19: {  	s7 =	sld [smem:$0x3FA0]  }
0x1a: {  	s8 =	sadd.s32 $0xFFFFE003, lr  }
0x1b: {  	s9 =	sadd.s32 $0xFFFFFEF7, lr;
	s5 =	simm.s32 $0xFFFFFFFF;
	p2 =	slt.u32 s8, $0xFFFFF086  }
0x1c: {  	p1 =	slt.u32 s9, $0xF7A;
	s5 =	simm.s32 @!p2 $0x0  }
0x1d: {  	s5 =	simm.s32 @p1 $0x1;
	p0 =	seq.s32 s7, s2  }
0x1e: {  	s7 =	smul.u32 @!p0 $0xF7A, s2;
	p2 =	seq.s32 @!p0 s5, $0x0  }
0x1f: {  	s9 =	smul.u32 $0xF7A, s1;
	s8 =	simm.s32 @!p0 $0x1BF5;
	p2 =	por !p2, p0  }
0x20: {  	[sflag:s8] =	ssyncset.s32 @!p0 $0xFFFFF086;
	s6 =	sadd.s32 @!p0 s3, s7;
	s7 =	simm.s32 @!p0 $0x108  }
0x21: {  	s3 =	sadd.s32 s3, s9;
	s6 =	sadd.s32 @!p0 $0x88, s6;
	s7 =	simm.s32 @p2 $0x1082  }
0x22: {  	[simem:s7], [sflag:s8] =	dma.local @!p0 [hbm:s6], $0xF7A  }
0x23: {  	s9 =	sor.u32 $0xD0000000, s2;
	s6 =	simm.s32 $0x108;
	_ =	swait.ge @!p0 [sflag:s8], $0x0  }
0x24: {  	s3 =	sadd.s32 $0x88, s3;
	s6 =	simm.s32 @!p1 $0x1082;
	[sflag:s4] =	ssyncset.s32 $0xFFFFF086  }
0x25: {  	[simem:s6], [sflag:s4] =	dma.local [hbm:s3], $0xF7A  }
0x26: {  	[smem:$0x3FA0] =	sst s1;
	(tag) =	ssettag s2;
	_ =	strace s9  }
0x27: {  	s1 =	sld [smem:$0x3FB0]  }
0x28: {  	s2 =	sld [smem:$0x3FB1]  }
0x29: {  	s4 =	sld [smem:$0x3FB3]  }
0x2a: {  	p0 =	seq.s32 s5, $0x0;
	s5 =	sld [smem:$0x3FB4]  }
0x2b: {  	s6 =	sld [smem:$0x3FB5]  }
0x2c: {  	s7 =	sld [smem:$0x3FB6]  }
0x2d: {  	s3 =	simm.s32 $0x108;
	s8 =	sld [smem:$0x3FB7]  }
0x2e: {  	s3 =	simm.s32 @!p0 $0x1082;
	s9 =	sld [smem:$0x3FB8]  }
0x2f: {  	lr =	sadd.s32 s0, s3;
	s0 =	sld [smem:$0x3FAF]  }
0x30: {  	s3 =	sld [smem:$0x3FB2]  }
0x31: {  	[smem:$0x3FBB] =	sst s10  }
0x32: {  	s10 =	sld [smem:$0x3FB9];
	_ =	sdelay $0x3  }
0x33: {  	p0 =	seq.s32 s10, $0x1;
	s10 =	sld [smem:$0x3FBB];
	_ =	sdelay $0x3  }
0x34: {  	[smem:$0x3FBB] =	sst s10  }
0x35: {  	s10 =	sld [smem:$0x3FBA];
	_ =	sdelay $0x3  }
0x36: {  	p1 =	seq.s32 s10, $0x1;
	s10 =	sld [smem:$0x3FBB];
	_ =	sdelay $0x3  }
0x37: {  	[smem:$0x3FBB] =	sst s10  }
0x38: {  	s10 =	sld [smem:$0x3FBC]  }
0x39: {  	_ = 	snop;
	(pc) =	sbr.ind lr, $3  }
0x3a: {  	_ = 	snop  }
0x3b: {  	_ = 	snop  }
0x3c: {  	p2 =	seq.s32 s10, $0x1;
	s10 =	sld [smem:$0x3FBB]  }
0x3d: {  	_ =	shalt  }
0x3e: {  	_ =	shalt  }
0x3f: {  	_ =	shalt  }
0x40: {  	_ =	shalt  }
0x41: {  	_ =	shalt  }
0x42: {  	_ =	shalt  }
0x43: {  	_ =	shalt  }
0x44: {  	_ =	shalt  }
0x45: {  	_ =	shalt  }
0x46: {  	_ =	shalt  }
0x47: {  	_ =	shalt  }
0x48: {  	_ =	shalt  }
0x49: {  	_ =	shalt  }
0x4a: {  	_ =	shalt  }
0x4b: {  	_ =	shalt  }
0x4c: {  	_ =	shalt  }
0x4d: {  	_ =	shalt  }
0x4e: {  	_ =	shalt  }
0x4f: {  	_ =	shalt  }
0x50: {  	_ =	shalt  }
0x51: {  	_ =	shalt  }
0x52: {  	_ =	shalt  }
0x53: {  	_ =	shalt  }
0x54: {  	_ =	shalt  }
0x55: {  	_ =	shalt  }
0x56: {  	_ =	shalt  }
0x57: {  	_ =	shalt  }
0x58: {  	_ =	shalt  }
0x59: {  	_ =	shalt  }
0x5a: {  	_ =	shalt  }
0x5b: {  	_ =	shalt  }
0x5c: {  	_ =	shalt  }
0x5d: {  	_ =	shalt  }
0x5e: {  	_ =	shalt  }
0x5f: {  	_ =	shalt  }
0x60: {  	_ =	shalt  }
0x61: {  	_ =	shalt  }
0x62: {  	_ =	shalt  }
0x63: {  	_ =	shalt  }
0x64: {  	_ =	shalt  }
0x65: {  	_ =	shalt  }
0x66: {  	_ =	shalt  }
0x67: {  	_ =	shalt  }
0x68: {  	_ =	shalt  }
0x69: {  	_ =	shalt  }
0x6a: {  	_ =	shalt  }
0x6b: {  	_ =	shalt  }
0x6c: {  	_ =	shalt  }
0x6d: {  	_ =	shalt  }
0x6e: {  	_ =	shalt  }
0x6f: {  	_ =	shalt  }
0x70: {  	_ =	shalt  }
0x71: {  	_ =	shalt  }
0x72: {  	_ =	shalt  }
0x73: {  	_ =	shalt  }
0x74: {  	_ =	shalt  }
0x75: {  	_ =	shalt  }
0x76: {  	_ =	shalt  }
0x77: {  	_ =	shalt  }
0x78: {  	_ =	shalt  }
0x79: {  	_ =	shalt  }
0x7a: {  	_ =	shalt  }
0x7b: {  	_ =	shalt  }
0x7c: {  	_ =	shalt  }
0x7d: {  	_ =	shalt  }
0x7e: {  	_ =	shalt  }
0x7f: {  	_ =	shalt  }
0x80: {  	_ =	shalt  }
0x81: {  	_ =	shalt  }
0x82: {  	_ =	shalt  }
0x83: {  	_ =	shalt  }
0x84: {  	_ =	shalt  }
0x85: {  	_ =	shalt  }
0x86: {  	_ =	shalt  }
0x87: {  	_ =	shalt  }
.Lfunc_end0:
.L_simem_size_0:
called_computation_lowered:
.L_overlay_start_0:
0x88: {  	s2 =	sld [smem:$0x3FD9]  }
0x89: {  	s3 =	sld [smem:$0x3FFE];
	_ =	sdelay $0x1  }
0x8a: {  	s1 =	srdreg.scid  }
0x8b: {  	s0 =	sand.u32 $0x1, s1  }
0x8c: {  	s17 =	sshll.u32 s0, $0xA;
	s2 =	sadd.s32 s3, s2  }
0x8d: {  	s2 =	sadd.s32 s2, s17  }
0x8e: {  	[smem:$0x3FC7] =	sst s2  }
0x8f: {  	_ = 	snop  }
0x90: {  	s2 =	sld [smem:$0x3FC9];
	(tm) =	ssettm $0x1  }
0x91: {  	s18 =	sld [smem:$0x3FFB];
	_ =	sdelay $0x3  }
0x92: {  	_ =	strace s18  }
0x93: {  	s3 =	sld [smem:$0x3FFC];
	_ =	sdelay $0x3  }
0x94: {  	_ =	strace s3  }
0x95: {  	s3 =	sld [smem:$0x3FFD];
	_ =	sdelay $0x3  }
0x96: {  	_ =	strace s3  }
0x97: {  	_ =	strace $0x8FFFFFFF  }
0x98: {  	s19 =	sld [smem:$0x3FDB];
	_ =	sdelay $0x1  }
0x99: {  	s4 =	simm.s32 $_scs_section_size  }
0x9a: {  	s5 =	simm.s32 $_size__tile_overlayer_lowered;
	s6 =	simm.s32 $_tile_overlayer_lowered  }
0x9b: {  	s22 =	simm.s32 $0x1BFF;
	s21 =	sshll.u32 s6, $0x1;
	s3 =	sadd.s32 s4, s19  }
0x9c: {  	s7 =	simm.s32 $0x0;
	s20 =	sshll.u32 s5, $0x1;
	s5 =	sadd.s32 s21, s3  }
0x9d: {  	[timem:s7], [sflag:s22] =	dma.local [hbm:s5], s20  }
0x9e: {  	_ =	swait.ge [sflag:s22], s20  }
0x9f: {  	s4 =	ssub.s32 $0x0, s20;
	[sflag:s22] =	ssyncset.done $0x0  }
0xa0: {  	[sflag:s22] =	ssyncadd.s32 s4;
	_ =	sdelay $0x1  }
0xa1: {  	s23 =	simm.s32 $0x1B8B  }
0xa2: {  	_ =	swait.ge [sflag:s23], $0x1  }
0xa3: {  	[sflag:s23] =	ssyncset.done $0x0  }
0xa4: {  	s25 =	simm.s32 $0x1B8E;
	s24 =	sld [smem:$0x3FFE];
	[sflag:s23] =	ssyncadd.s32 $0xFFFFFFFF  }
0xa5: {  	s26 =	simm.s32 $execute0_lowered;
	[smem:$0x3FD2] =	sst s25  }
0xa6: {  	s5 =	sshll.u32 s26, $0x1;
	_ =	strace $0x80000046;
	[dreg:$0x1] =	wrdreg $0xFFFFFFFF  }
0xa7: {  	s28 =	simm.s32 $_size_execute0_lowered;
	s3 =	sadd.s32 s3, s5;
	[dreg:$0x0] =	wrdreg $0x0  }
0xa8: {  	s5 =	sshll.u32 s28, $0x1;
	[dreg:$0x2] =	wrdreg s3  }
0xa9: {  	[dreg:$0x3] =	wrdreg s5  }
0xaa: {  	[dreg:$0x4] =	wrdreg $0xC0  }
0xab: {  	_ =	task [dreg:s7], $0x5FFFF  }
0xac: {  	[dreg:$0x1] =	wrdreg $0xFFFFFFFF  }
0xad: {  	[dreg:$0x0] =	wrdreg $0x60  }
0xae: {  	[dreg:$0x2] =	wrdreg s2  }
0xaf: {  	[dreg:$0x3] =	wrdreg s24  }
0xb0: {  	[dreg:$0x4] =	wrdreg $0x9  }
0xb1: {  	_ =	task.clear_ibuf [dreg:s7], $0x5FFFF;
	_ =	strace $0x90000046  }
0xb2: {  	s29 =	simm.s32 $0x9;
	_ =	strace $0x80000048  }
0xb3: {  	_ =	swait.ge [sflag:s29], $0x1  }
0xb4: {  	[sflag:s29] =	ssyncadd.s32 $0xFFFFFFFF  }
0xb5: {  	_ =	strace $0x90000048  }
0xb6: {  	_ =	sfence  }
0xb7: {  	s30 =	sld [smem:$0x0];
	_ =	sdelay $0x2  }
0xb8: {  	s31 =	sshll.u32 s1, $0xD;
	s1 =	sshrl.u32 s1, $0x2  }
0xb9: {  	s3 =	sand.u32 $0x4000, s31;
	s1 =	sadd.s32 s1, s30  }
0xba: {  	s0 =	sor.u32 s3, s0;
	s1 =	sshll.u32 s1, $0x11  }
0xbb: {  	s0 =	sor.u32 s1, s0  }
0xbc: {  	s0 =	sadd.s32 $0x8F2B, s0  }
0xbd: {  	[sflag:s0] =	ssyncadd.remote.s32 $0x1  }
0xbe: {  	_ =	sfence.sel $0xFFFF  }
0xbf: {  	[dreg:$0x0] =	wrdreg $0xFFFFFFFF;
	(pc) =	sbr.abs _section_cstart, $3  }
0xc0: {  	[dreg:$0x1] =	wrdreg $0xFFFFFFFF  }
0xc1: {  	_ =	task.clear_ibuf [dreg:s7], $0x2FFFF;
	_ =	strace $0x9FFFFFFF  }
0xc2: {  	(tm) =	ssettm $0x7FFFFFFF  }
0xc3: {  	_ =	shalt  }
tec
execute0_lowered:
.L_overlay_start_1:
0x0: {  	(tag) =	ssettag $0x1  }
0x1: {  	s2 =	rddreg [dreg:$0x0]  }
0x2: {  	s4 =	rddreg [dreg:$0x1]  }
0x3: {  	s0 =	rddreg [dreg:$0x2]  }
0x4: {  	s5 =	srdreg.scid;
	s1 =	stileid.u32  }
0x5: {  	s3 =	simm.s32 $0x0;
	s5 =	sand.u32 $0x1, s5;
	s6 =	sshll.u32 s1, $0x1  }
0x6: {  	s12 =	simm.s32 $0x2;
	s13 =	simm.s32 $0xC800;
	s6 =	sor.u32 s5, s6  }
0x7: {  	s14 =	simm.s32 $0x3;
	[smem:$0x7FF] =	sst s3;
	s8 =	smul.u32 $0x89800, s6  }
0x8: {  	s15 =	simm.s32 $0x0;
	_ =	strace $0x80000047;
	s26 =	smul.u32 $0x11300, s6  }
0x9: {  	s25 =	ssub.s32 $0x2, s5;
	s7 =	sshll.u32 s6, $0x4;
	s10 =	smul.u32 $0x1130, s6  }
.Ltmp0:
0xa: {  	s28 =	sshrl.u32 s25, $0x1;
	s9 =	sadd.s32 s7, s4;
	(pc) =	sbr.rel .LBB2_1-.Ltmp0, $4  }
0xb: {  	s11 =	ssub.s32 s25, s28;
	s29 =	sshrl.u32 s8, $0x3;
	s30 =	sadd.s32 s2, s26  }
0xc: {  	s6 =	sadd.s32 $0x2BD90, s10;
	s7 =	sadd.s32 $0x2BE58, s10;
	s8 =	sadd.s32 $0x600, s9  }
0xd: {  	s9 =	smax.u32 s11, $0x1;
	s10 =	simm.s32 $0x6400;
	s31 =	sadd.s32 s2, s29  }
0xe: {  	s11 =	simm.s32 $0x1;
	s4 =	sadd.s32 $0x2BC000, s30;
	s5 =	sadd.s32 $0x2BCC80, s31  }
.LBB2_8:
0xf: {  	[tilespmem:$0xC800] =	vst v6  }
0x10: {  	[tilespmem:$0xC810] =	vst v7  }
0x11: {  	[tilespmem:$0xC820] =	vst v4  }
0x12: {  	[tilespmem:$0xC830] =	vst v3  }
0x13: {  	[tilespmem:$0xC840] =	vst v2  }
0x14: {  	[tilespmem:$0xC850] =	vst v1;
	s15 =	sadd.s32 $0x1, s15  }
0x15: {  	[tilespmem:$0xC860] =	vst v0;
	p0 =	sne.s32 s15, s9  }
.Ltmp1:
0x16: {  	[tilespmem:$0xC870] =	vst v5;
	(pc) =	sbr.rel @!p0 .LBB2_9-.Ltmp1, $4  }
0x17: {  	[hbm4b:s8+s3] =	stream.linear.scatter [tilespmem:s13], [sflag:$0x3], $0x80, $0x38;
	[tilespmem:$0xC880] =	vst v63  }
0x18: {  	_ =	swait.ge [sflag:s14], $0x80  }
0x19: {  	[sflag:s14] =	ssyncset.done $0x0  }
0x1a: {  	[sflag:s14] =	ssyncadd.s32 $0xFFFFFF80  }
.LBB2_1:
0x1b: {  	[tilespmem:s3], [sflag:$0x1] =	stream.linear.gather [hbm4b:s4+s3], $0x6400, $0x38;
	v5 =	vimm.f32 $0.0e+00;
	v0 =	vimm.f32 $0.0e+00;
	[tilespmem:$0xC880] =	vst v63  }
0x1c: {  	v1 =	vimm.f32 $0.0e+00;
	v2 =	vimm.f32 $0.0e+00;
	v3 =	vimm.f32 $0.0e+00;
	s16 =	simm.s32 $0x0  }
0x1d: {  	v4 =	vimm.f32 $0.0e+00;
	v7 =	vimm.f32 $0.0e+00;
	v6 =	vimm.f32 $0.0e+00;
	[tilespmem:s10], [sflag:$0x2] =	stream.linear.gather [hbm4b:s5+s3], $0x6400, $0x38;
	[tilespmem:$0xC880] =	vst v63  }
.LBB2_2:
0x1e: {  	_ =	swait.ge [sflag:s11], $0x6400  }
0x1f: {  	[sflag:s11] =	ssyncset.done $0x0  }
0x20: {  	s19 =	simm.s32 $0x0;
	[sflag:s11] =	ssyncadd.s32 $0xFFFF9C00  }
0x21: {  	v11 =	vld [tilespmem:s19+$0x70]  }
0x22: {  	v12 =	vld [tilespmem:s19+$0x0]  }
0x23: {  	v13 =	vld [tilespmem:s19+$0x10]  }
0x24: {  	v9 =	vld [tilespmem:s19+$0x20]  }
0x25: {  	v10 =	vld [tilespmem:s19+$0x30]  }
0x26: {  	v8 =	vld [tilespmem:s19+$0x40]  }
0x27: {  	v5 =	vadd.f32 v11, v5;
	v11 =	vld [tilespmem:s19+$0x50]  }
0x28: {  	s17 =	simm.s32 $0x80;
	s18 =	simm.s32 $0x400;
	v6 =	vadd.f32 v12, v6;
	v7 =	vadd.f32 v13, v7;
	v12 =	vld [tilespmem:s19+$0x60]  }
.LBB2_3:
0x29: {  	p0 =	sne.s32 s18, $0x18E00;
	v13 =	vld [tilespmem:s17+$0x70];
	v4 =	vadd.f32 v9, v4  }
0x2a: {  	v14 =	vld [tilespmem:s17+$0x0];
	v3 =	vadd.f32 v10, v3  }
0x2b: {  	v15 =	vld [tilespmem:s17+$0x10];
	v2 =	vadd.f32 v8, v2  }
.Ltmp2:
0x2c: {  	v9 =	vld [tilespmem:s17+$0x20];
	v1 =	vadd.f32 v11, v1;
	(pc) =	sbr.rel @p0 .LBB2_3-.Ltmp2, $4  }
0x2d: {  	v10 =	vld [tilespmem:s17+$0x30];
	v0 =	vadd.f32 v12, v0  }
0x2e: {  	v8 =	vld [tilespmem:s17+$0x40];
	v5 =	vadd.f32 v13, v5  }
0x2f: {  	v6 =	vadd.f32 v14, v6;
	v11 =	vld [tilespmem:s17+$0x50]  }
0x30: {  	v7 =	vadd.f32 v15, v7;
	v12 =	vld [tilespmem:s17+$0x60];
	s17 =	sshra.s32 s18, $0x2;
	s18 =	sadd.s32 $0x200, s18  }
0x31: {  	v13 =	vld [tilespmem:s17+$0x70]  }
0x32: {  	v14 =	vld [tilespmem:s17+$0x0]  }
0x33: {  	v15 =	vld [tilespmem:s17+$0x10];
	p0 =	seq.s32 s16, $0xA  }
0x34: {  	v16 =	vld [tilespmem:s17+$0x20];
	s18 =	smul.u32 @!p0 $0x190, s16  }
0x35: {  	v17 =	vld [tilespmem:s17+$0x30]  }
0x36: {  	v18 =	vld [tilespmem:s17+$0x40];
	s18 =	sadd.s32 @!p0 s18, s6  }
0x37: {  	v19 =	vld [tilespmem:s17+$0x50];
	s18 =	sshll.u32 @!p0 s18, $0x4  }
0x38: {  	v20 =	vld [tilespmem:s17+$0x60];
	s17 =	sadd.s32 @!p0 s2, s18;
	s18 =	simm.s32 @!p0 $0x0  }
0x39: {  	[tilespmem:s18], [sflag:$0x1] =	stream.linear.gather @!p0 [hbm4b:s17+s18], $0x6400, $0x38;
	[tilespmem:$0xC880] =	vst v63  }
0x3a: {  	_ =	swait.ge [sflag:s12], $0x6400  }
0x3b: {  	[sflag:s12] =	ssyncset.done $0x0  }
0x3c: {  	s19 =	simm.s32 $0x0;
	[sflag:s12] =	ssyncadd.s32 $0xFFFF9C00  }
0x3d: {  	v4 =	vadd.f32 v9, v4;
	v3 =	vadd.f32 v10, v3;
	v21 =	vld [tilespmem:s19+$0x6470]  }
0x3e: {  	v10 =	vadd.f32 v8, v2;
	v1 =	vadd.f32 v11, v1;
	v22 =	vld [tilespmem:s19+$0x6400]  }
0x3f: {  	v11 =	vadd.f32 v12, v0;
	v5 =	vadd.f32 v13, v5;
	v12 =	vld [tilespmem:s19+$0x6410]  }
0x40: {  	v6 =	vadd.f32 v14, v6;
	v7 =	vadd.f32 v15, v7;
	v8 =	vld [tilespmem:s19+$0x6420]  }
0x41: {  	v2 =	vadd.f32 v16, v4;
	v0 =	vadd.f32 v17, v3;
	v9 =	vld [tilespmem:s19+$0x6430]  }
0x42: {  	v3 =	vadd.f32 v18, v10;
	v1 =	vadd.f32 v19, v1;
	v10 =	vld [tilespmem:s19+$0x6440]  }
0x43: {  	v4 =	vadd.f32 v20, v11;
	v11 =	vld [tilespmem:s19+$0x6450];
	v5 =	vadd.f32 v21, v5  }
0x44: {  	s17 =	simm.s32 $0x80;
	s18 =	simm.s32 $0x400;
	v6 =	vadd.f32 v22, v6;
	v7 =	vadd.f32 v12, v7;
	v12 =	vld [tilespmem:s19+$0x6460]  }
.LBB2_5:
0x45: {  	p1 =	sne.s32 s18, $0x18E00;
	v13 =	vld [tilespmem:s17+$0x6470];
	v2 =	vadd.f32 v8, v2  }
0x46: {  	v14 =	vld [tilespmem:s17+$0x6400];
	v0 =	vadd.f32 v9, v0  }
0x47: {  	v15 =	vld [tilespmem:s17+$0x6410];
	v3 =	vadd.f32 v10, v3  }
.Ltmp3:
0x48: {  	v8 =	vld [tilespmem:s17+$0x6420];
	v1 =	vadd.f32 v11, v1;
	(pc) =	sbr.rel @p1 .LBB2_5-.Ltmp3, $4  }
0x49: {  	v9 =	vld [tilespmem:s17+$0x6430];
	v4 =	vadd.f32 v12, v4  }
0x4a: {  	v10 =	vld [tilespmem:s17+$0x6440];
	v5 =	vadd.f32 v13, v5  }
0x4b: {  	v6 =	vadd.f32 v14, v6;
	v11 =	vld [tilespmem:s17+$0x6450]  }
0x4c: {  	v7 =	vadd.f32 v15, v7;
	v12 =	vld [tilespmem:s17+$0x6460];
	s17 =	sshra.s32 s18, $0x2;
	s18 =	sadd.s32 $0x200, s18  }
0x4d: {  	v13 =	vld [tilespmem:s17+$0x6470]  }
0x4e: {  	v14 =	vld [tilespmem:s17+$0x6400]  }
0x4f: {  	v15 =	vld [tilespmem:s17+$0x6410]  }
0x50: {  	v16 =	vld [tilespmem:s17+$0x6420]  }
0x51: {  	v17 =	vld [tilespmem:s17+$0x6430]  }
0x52: {  	v18 =	vld [tilespmem:s17+$0x6440]  }
0x53: {  	v2 =	vadd.f32 v8, v2;
	v8 =	vld [tilespmem:s17+$0x6450]  }
0x54: {  	v62 =	vld [tilespmem:s17+$0x6460];
	v0 =	vadd.f32 v9, v0;
	v61 =	vadd.f32 v10, v3  }
.Ltmp4:
0x55: {  	v1 =	vadd.f32 v11, v1;
	v63 =	vadd.f32 v12, v4;
	(pc) =	sbr.rel @p0 .LBB2_8-.Ltmp4, $4  }
0x56: {  	v5 =	vadd.f32 v13, v5;
	v6 =	vadd.f32 v14, v6  }
0x57: {  	v7 =	vadd.f32 v15, v7;
	v4 =	vadd.f32 v16, v2  }
0x58: {  	v3 =	vadd.f32 v17, v0;
	v2 =	vadd.f32 v18, v61  }
0x59: {  	v1 =	vadd.f32 v8, v1;
	v0 =	vadd.f32 v62, v63  }
0x5a: {  	s17 =	smul.u32 $0x190, s16  }
.Ltmp5:
0x5b: {  	_ = 	snop;
	(pc) =	sbr.rel .LBB2_2-.Ltmp5, $4  }
0x5c: {  	s17 =	sadd.s32 s17, s7  }
0x5d: {  	s17 =	sshll.u32 s17, $0x4  }
0x5e: {  	s16 =	sadd.s32 $0x1, s16;
	s17 =	sadd.s32 s2, s17  }
0x5f: {  	[tilespmem:s10], [sflag:$0x2] =	stream.linear.gather [hbm4b:s17+s3], $0x6400, $0x38;
	[tilespmem:$0xC880] =	vst v63  }
.LBB2_9:
0x60: {  	_ =	sfence.sel $0x180000  }
0x61: {  	[bflag:$0x0] =	sbarrier.arrive $0xFFFF  }
0x62: {  	p0 =	sne.s32 s1, $0x0;
	_ =	strace $0x90000047  }
0x63: {  	s0 =	sadd.s32 @!p0 $0x100000, s0;
	[bflag:$0x2] =	sbarrier.arrive $0xFFFF  }
0x64: {  	[sflag:s0] =	ssyncadd.tile.s32 @!p0 $0x1;
	_ =	shalt  }
.Lfunc_end2:
_tile_overlayer_lowered:
.L_overlay_start_2:
0x65: {  	(tag) =	ssettag $0x2  }
0x66: {  	s0 =	rddreg [dreg:$0x0];
	s2 =	stileid.u32  }
0x67: {  	s1 =	rddreg [dreg:$0x1];
	p0 =	sne.s32 s2, $0x0  }
0x68: {  	s3 =	rddreg [dreg:$0x2];
	[bflag:$0x3] =	sbarrier.arrive $0xFFFF;
	s2 =	simm.s32 @!p0 $0x1C03  }
0x69: {  	[timem:s3], [sflag:s2] =	dma.local @!p0 [hbm:s0], s1  }
0x6a: {  	s0 =	simm.s32 @!p0 $0x3  }
0x6b: {  	_ =	swait.ge @!p0 [sflag:s0], s1  }
0x6c: {  	s1 =	ssub.s32 @!p0 $0x0, s1;
	[sflag:s0] =	ssyncset.done @!p0 $0x0  }
0x6d: {  	[sflag:s0] =	ssyncadd.s32 @!p0 s1  }
0x6e: {  	[bflag:$0x3] =	sbarrier.arrive $0xFFFF  }
0x6f: {  	_ =	shalt  }

</sc_bundles>
